<compile_context>
chip_gen: v7x
topology: tpu7x:2x2x1
jax: 0.10.2.dev20260603
libtpu: 0.0.44.dev20260713+nightly
codegen_flags: <defaults>
</compile_context>

<pallas_src>
import jax
import jax.numpy as jnp
from jax import lax
from jax.experimental import pallas as pl
from jax.experimental.pallas import tpu as pltpu
from jax.experimental.pallas import tpu_sc as plsc

_VOCAB = 100000
_EMBED_DIM = 64
_BATCH = 4096
_HIST = 50

_NC = 2
_NS = 16
_NW = _NC * _NS

_BT = _BATCH // _NW
_MPB = _HIST * _EMBED_DIM
_ROWS = _BATCH * _MPB // 128


def _gather_body(table_hbm, idx_hbm, out_hbm, idx_v, buf0, buf1,
                 sem_g0, sem_g1, sem_w0, sem_w1):
  wid = lax.axis_index("s") * _NC + lax.axis_index("c")
  pltpu.sync_copy(idx_hbm.at[pl.ds(0, _HIST), pl.ds(wid * _BT, _BT)], idx_v)

  base = wid * _HIST // 2 * _BT

  def dst(h):
    return out_hbm.at[pl.ds(base + (h // 2) * _BT, _BT),
                      pl.ds((h % 2) * _EMBED_DIM, _EMBED_DIM)]

  pltpu.async_copy(table_hbm.at[idx_v.at[0]], buf0, sem_g0)

  def step(h, buf, sem_g, sem_w, first):
    pltpu.make_async_copy(table_hbm.at[idx_v.at[h]], buf, sem_g).wait()

    @pl.when(jnp.logical_not(first))
    def _drain_prev_write():
      pltpu.make_async_copy(buf, dst(h - 2), sem_w).wait()

    pltpu.async_copy(buf, dst(h), sem_w)

  def superstep(i, carry):
    h0 = 2 * i
    h1 = 2 * i + 1
    pltpu.async_copy(table_hbm.at[idx_v.at[h1]], buf1, sem_g1)
    step(h0, buf0, sem_g0, sem_w0, i == 0)

    @pl.when(i < _HIST // 2 - 1)
    def _fire_next():
      pltpu.async_copy(table_hbm.at[idx_v.at[h1 + 1]], buf0, sem_g0)

    step(h1, buf1, sem_g1, sem_w1, i == 0)
    return carry

  lax.fori_loop(0, _HIST // 2, superstep, 0)
  pltpu.make_async_copy(buf0, dst(_HIST - 2), sem_w0).wait()
  pltpu.make_async_copy(buf1, dst(_HIST - 1), sem_w1).wait()


def _tc_transpose_body(x_ref, y_ref):
  x = x_ref[...].reshape(_MPB // 128, 128, 128)
  y_ref[...] = jnp.swapaxes(x, 1, 2).reshape(_MPB, 128)


@jax.jit
def kernel(indices, table):
  idx_t = indices.T.astype(jnp.int32)
  mesh = plsc.VectorSubcoreMesh(core_axis_name="c", subcore_axis_name="s")
  staged = pl.kernel(
      _gather_body,
      out_type=jax.ShapeDtypeStruct((_ROWS, 128), jnp.float32),
      mesh=mesh,
      scratch_types=[
          pltpu.VMEM((_HIST, _BT), jnp.int32),
          pltpu.VMEM((_BT, _EMBED_DIM), jnp.float32),
          pltpu.VMEM((_BT, _EMBED_DIM), jnp.float32),
          pltpu.SemaphoreType.DMA,
          pltpu.SemaphoreType.DMA,
          pltpu.SemaphoreType.DMA,
          pltpu.SemaphoreType.DMA,
      ],
      compiler_params=pltpu.CompilerParams(use_tc_tiling_on_sc=False,
                                           needs_layout_passes=False),
  )(table, idx_t)

  trans = pl.pallas_call(
      _tc_transpose_body,
      grid=(_NW,),
      in_specs=[pl.BlockSpec((_MPB, 128), lambda w: (w, 0))],
      out_specs=pl.BlockSpec((_MPB, 128), lambda w: (0, w)),
      out_shape=jax.ShapeDtypeStruct((_MPB, _BATCH), jnp.float32),
  )(staged)

  return trans.reshape(_HIST, _EMBED_DIM, _BATCH).transpose(2, 0, 1)

# --- scband reference (transcript-rebuilt; emitter-appended) ---
"""Pipeline reference for scband-base-model-16174846836958 (READ-ONLY COPY).

The authoritative reference and input builder live on the scoring server;
editing this copy changes nothing except your own understanding.
"""

import jax, jax.numpy as jnp
import numpy as np

VOCAB = 100000
EMBED_DIM = 64
BATCH = 4096
HIST = 50


def setup_inputs(seed: int = 0) -> dict:
    key = jax.random.key(seed)
    k_idx, k_tab = jax.random.split(key)
    indices = jax.random.randint(k_idx, (BATCH, HIST), 0, VOCAB, dtype=jnp.int64)
    # Pretrained embedding table (frozen weights loaded via from_pretrained)
    table = jax.random.normal(k_tab, (VOCAB, EMBED_DIM), dtype=jnp.float32)
    return {"indices": indices, "table": table}


def reference(indices, table):
    # torch.nn.Embedding.from_pretrained(weight)(indices) -> weight[indices]
    out = jnp.take(table, indices, axis=0)
    return out

if __name__ == "__main__":
    import jax
    _d = setup_inputs()
    print(jax.jit(kernel)(*tuple(_d.values())))

</pallas_src>

<mosaic_0001>
#map = affine_map<(d0, d1) -> (0, 0)>
module attributes {stable_mosaic.version = 14 : i64} {
  func.func @_gather_body(%arg0: i32, %arg1: i32, %arg2: memref<100000x64xf32, #tpu.memory_space<hbm>>, %arg3: memref<50x4096xi32, #tpu.memory_space<hbm>>, %arg4: memref<102400x128xf32, #tpu.memory_space<hbm>>, %arg5: memref<50x128xi32, #tpu.memory_space<vmem>>, %arg6: memref<128x64xf32, #tpu.memory_space<vmem>>, %arg7: memref<128x64xf32, #tpu.memory_space<vmem>>, %arg8: memref<!tpu.dma_semaphore, #tpu.memory_space<semaphore_mem>>, %arg9: memref<!tpu.dma_semaphore, #tpu.memory_space<semaphore_mem>>, %arg10: memref<!tpu.dma_semaphore, #tpu.memory_space<semaphore_mem>>, %arg11: memref<!tpu.dma_semaphore, #tpu.memory_space<semaphore_mem>>) attributes {dimension_semantics = [#tpu.dimension_semantics<core_parallel>, #tpu.dimension_semantics<subcore_parallel>], iteration_bounds = array<i64: 2, 16>, scalar_prefetch = 0 : i64, scratch_operands = 7 : i64, tpu.core_type = #tpu.core_type<sc_vector_subcore>, window_params = [{transform_indices = #map}, {transform_indices = #map}, {transform_indices = #map}]} {
    %mul3A = arith.constant 2 : i32
    %mul3A_0 = arith.muli %arg1, %mul3A : i32
    %add3A = arith.addi %mul3A_0, %arg0 : i32
    %mul3A_1 = arith.constant 128 : i32
    %mul3A_2 = arith.muli %add3A, %mul3A_1 : i32
    "tpu.region"() ({
      %run_scoped3A = tpu.sem_alloc : memref<!tpu.dma_semaphore, #tpu.memory_space<semaphore_mem>>
      %dma_start3A_45 = arith.constant 0 : i32
      %dma_start3A_46 = tpu.memref_slice %arg3[%dma_start3A_45, %mul3A_2] : memref<50x4096xi32, #tpu.memory_space<hbm>> -> memref<50x128xi32, #tpu.memory_space<hbm>>
      %dma_start3A_47 = arith.constant 0 : i32
      %dma_start3A_48 = tpu.memref_slice %arg3[%dma_start3A_47, %mul3A_2] : memref<50x4096xi32, #tpu.memory_space<hbm>> -> memref<50x128xi32, #tpu.memory_space<hbm>>
      tpu.enqueue_dma source(%dma_start3A_48 : memref<50x128xi32, #tpu.memory_space<hbm>>) target(%arg5 : memref<50x128xi32, #tpu.memory_space<vmem>>) target_semaphore(%run_scoped3A : memref<!tpu.dma_semaphore, #tpu.memory_space<semaphore_mem>>)
      %dma_wait3A_49 = arith.constant 0 : i32
      %dma_wait3A_50 = tpu.memref_slice %arg3[%dma_wait3A_49, %mul3A_2] : memref<50x4096xi32, #tpu.memory_space<hbm>> -> memref<50x128xi32, #tpu.memory_space<hbm>>
      %dma_wait3A_51 = arith.constant 0 : i32
      %dma_wait3A_52 = tpu.memref_slice %arg3[%dma_wait3A_51, %mul3A_2] : memref<50x4096xi32, #tpu.memory_space<hbm>> -> memref<50x128xi32, #tpu.memory_space<hbm>>
      tpu.wait_dma2 semaphore(%run_scoped3A : memref<!tpu.dma_semaphore, #tpu.memory_space<semaphore_mem>>) src(%dma_wait3A_52 : memref<50x128xi32, #tpu.memory_space<hbm>>) dst(%arg5 : memref<50x128xi32, #tpu.memory_space<vmem>>)
      tpu.yield
    }) : () -> ()
    %mul3A_3 = arith.constant 50 : i32
    %mul3A_4 = arith.muli %add3A, %mul3A_3 : i32
    %jit3A = arith.constant 2 : i32
    %div3A = arith.divsi %mul3A_4, %jit3A : i32
    %sign3A = arith.constant 0 : i32
    %sign3A_5 = arith.cmpi sgt, %mul3A_4, %sign3A : i32
    %sign3A_6 = arith.extui %sign3A_5 : i1 to i32
    %sign3A_7 = arith.constant 0 : i32
    %sign3A_8 = arith.cmpi slt, %mul3A_4, %sign3A_7 : i32
    %sign3A_9 = arith.extui %sign3A_8 : i1 to i32
    %sign3A_10 = arith.subi %sign3A_6, %sign3A_9 : i32
    %sign3A_11 = arith.constant 0 : i32
    %sign3A_12 = arith.cmpi sgt, %jit3A, %sign3A_11 : i32
    %sign3A_13 = arith.extui %sign3A_12 : i1 to i32
    %sign3A_14 = arith.constant 0 : i32
    %sign3A_15 = arith.cmpi slt, %jit3A, %sign3A_14 : i32
    %sign3A_16 = arith.extui %sign3A_15 : i1 to i32
    %sign3A_17 = arith.subi %sign3A_13, %sign3A_16 : i32
    %ne3A = arith.cmpi ne, %sign3A_10, %sign3A_17 : i32
    %rem3A = arith.remsi %mul3A_4, %jit3A : i32
    %ne3A_18 = arith.constant 0 : i32
    %ne3A_19 = arith.cmpi ne, %rem3A, %ne3A_18 : i32
    %and3A = arith.andi %ne3A, %ne3A_19 : i1
    %sub3A = arith.constant 1 : i32
    %sub3A_20 = arith.subi %div3A, %sub3A : i32
    %select_n3A = arith.select %and3A, %sub3A_20, %div3A : i32
    %mul3A_21 = arith.constant 128 : i32
    %mul3A_22 = arith.muli %select_n3A, %mul3A_21 : i32
    %dma_start3A = arith.constant 0 : i32
    %dma_start3A_23 = arith.constant 0 : i32
    %dma_start3A_24 = tpu.memref_slice %arg5[%dma_start3A, %dma_start3A_23] : memref<50x128xi32, #tpu.memory_space<vmem>> -> memref<1x128xi32, #tpu.memory_space<vmem>>
    %dma_start3A_25 = tpu.memref_squeeze %dma_start3A_24 : memref<1x128xi32, #tpu.memory_space<vmem>> -> memref<128xi32, #tpu.memory_space<vmem>>
    %dma_start3A_26 = arith.constant 0 : i32
    %dma_start3A_27 = arith.constant 0 : i32
    %dma_start3A_28 = tpu.memref_slice %arg2[%dma_start3A_26, %dma_start3A_27] : memref<100000x64xf32, #tpu.memory_space<hbm>> -> memref<100000x64xf32, #tpu.memory_space<hbm>>
    tpu.enqueue_indirect_dma source(%dma_start3A_28 : memref<100000x64xf32, #tpu.memory_space<hbm>>) target(%arg6 : memref<128x64xf32, #tpu.memory_space<vmem>>) offsets(%dma_start3A_25 : memref<128xi32, #tpu.memory_space<vmem>>) semaphore(%arg8 : memref<!tpu.dma_semaphore, #tpu.memory_space<semaphore_mem>>)
    %scan3A = arith.constant 0 : i32
    %scan3A_29 = arith.constant 0 : i32
    %scan3A_30 = arith.constant 25 : i32
    %scan3A_31 = arith.addi %scan3A_29, %scan3A_30 : i32
    %scan3A_32 = arith.constant 1 : i32
    scf.for %scan3A_45 = %scan3A_29 to %scan3A_31 step %scan3A_32  : i32 {
      %mul3A_46 = arith.constant 2 : i32
      %mul3A_47 = arith.muli %mul3A_46, %scan3A_45 : i32
      %mul3A_48 = arith.constant 2 : i32
      %mul3A_49 = arith.muli %mul3A_48, %scan3A_45 : i32
      %add3A_50 = arith.constant 1 : i32
      %add3A_51 = arith.addi %mul3A_49, %add3A_50 : i32
      %dma_start3A_52 = arith.constant 0 : i32
      %dma_start3A_53 = tpu.memref_slice %arg5[%add3A_51, %dma_start3A_52] : memref<50x128xi32, #tpu.memory_space<vmem>> -> memref<1x128xi32, #tpu.memory_space<vmem>>
      %dma_start3A_54 = tpu.memref_squeeze %dma_start3A_53 : memref<1x128xi32, #tpu.memory_space<vmem>> -> memref<128xi32, #tpu.memory_space<vmem>>
      %dma_start3A_55 = arith.constant 0 : i32
      %dma_start3A_56 = arith.constant 0 : i32
      %dma_start3A_57 = tpu.memref_slice %arg2[%dma_start3A_55, %dma_start3A_56] : memref<100000x64xf32, #tpu.memory_space<hbm>> -> memref<100000x64xf32, #tpu.memory_space<hbm>>
      tpu.enqueue_indirect_dma source(%dma_start3A_57 : memref<100000x64xf32, #tpu.memory_space<hbm>>) target(%arg7 : memref<128x64xf32, #tpu.memory_space<vmem>>) offsets(%dma_start3A_54 : memref<128xi32, #tpu.memory_space<vmem>>) semaphore(%arg9 : memref<!tpu.dma_semaphore, #tpu.memory_space<semaphore_mem>>)
      %eq3A = arith.constant 0 : i32
      %eq3A_58 = arith.cmpi eq, %scan3A_45, %eq3A : i32
      %dma_wait3A_59 = arith.constant 0 : i32
      %dma_wait3A_60 = tpu.memref_slice %arg5[%mul3A_47, %dma_wait3A_59] : memref<50x128xi32, #tpu.memory_space<vmem>> -> memref<1x128xi32, #tpu.memory_space<vmem>>
      %dma_wait3A_61 = tpu.memref_squeeze %dma_wait3A_60 : memref<1x128xi32, #tpu.memory_space<vmem>> -> memref<128xi32, #tpu.memory_space<vmem>>
      %dma_wait3A_62 = arith.constant 0 : i32
      %dma_wait3A_63 = arith.constant 0 : i32
      %dma_wait3A_64 = tpu.memref_slice %arg2[%dma_wait3A_62, %dma_wait3A_63] : memref<100000x64xf32, #tpu.memory_space<hbm>> -> memref<100000x64xf32, #tpu.memory_space<hbm>>
      tpu.wait_indirect_dma semaphore(%arg8 : memref<!tpu.dma_semaphore, #tpu.memory_space<semaphore_mem>>) src(%dma_wait3A_64 : memref<100000x64xf32, #tpu.memory_space<hbm>>) dst(%arg6 : memref<128x64xf32, #tpu.memory_space<vmem>>)
      %not3A = arith.constant true
      %not3A_65 = arith.xori %eq3A_58, %not3A : i1
      %convert_element_type3A = arith.extui %not3A_65 : i1 to i32
      %cond3A = arith.constant 0 : i32
      %cond3A_66 = arith.cmpi ne, %convert_element_type3A, %cond3A : i32
      scf.if %cond3A_66 {
        %sub3A_178 = arith.constant 2 : i32
        %sub3A_179 = arith.subi %mul3A_47, %sub3A_178 : i32
        %jit3A_180 = arith.constant 2 : i32
        %div3A_181 = arith.divsi %sub3A_179, %jit3A_180 : i32
        %sign3A_182 = arith.constant 0 : i32
        %sign3A_183 = arith.cmpi sgt, %sub3A_179, %sign3A_182 : i32
        %sign3A_184 = arith.extui %sign3A_183 : i1 to i32
        %sign3A_185 = arith.constant 0 : i32
        %sign3A_186 = arith.cmpi slt, %sub3A_179, %sign3A_185 : i32
        %sign3A_187 = arith.extui %sign3A_186 : i1 to i32
        %sign3A_188 = arith.subi %sign3A_184, %sign3A_187 : i32
        %sign3A_189 = arith.constant 0 : i32
        %sign3A_190 = arith.cmpi sgt, %jit3A_180, %sign3A_189 : i32
        %sign3A_191 = arith.extui %sign3A_190 : i1 to i32
        %sign3A_192 = arith.constant 0 : i32
        %sign3A_193 = arith.cmpi slt, %jit3A_180, %sign3A_192 : i32
        %sign3A_194 = arith.extui %sign3A_193 : i1 to i32
        %sign3A_195 = arith.subi %sign3A_191, %sign3A_194 : i32
        %ne3A_196 = arith.cmpi ne, %sign3A_188, %sign3A_195 : i32
        %rem3A_197 = arith.remsi %sub3A_179, %jit3A_180 : i32
        %ne3A_198 = arith.constant 0 : i32
        %ne3A_199 = arith.cmpi ne, %rem3A_197, %ne3A_198 : i32
        %and3A_200 = arith.andi %ne3A_196, %ne3A_199 : i1
        %sub3A_201 = arith.constant 1 : i32
        %sub3A_202 = arith.subi %div3A_181, %sub3A_201 : i32
        %select_n3A_203 = arith.select %and3A_200, %sub3A_202, %div3A_181 : i32
        %mul3A_204 = arith.constant 128 : i32
        %mul3A_205 = arith.muli %select_n3A_203, %mul3A_204 : i32
        %add3A_206 = arith.addi %mul3A_22, %mul3A_205 : i32
        %jit3A_207 = arith.constant 2 : i32
        %eq3A_208 = arith.constant 0 : i32
        %eq3A_209 = arith.cmpi eq, %jit3A_207, %eq3A_208 : i32
        %jit3A_210 = arith.constant 1 : i32
        %select_n3A_211 = arith.select %eq3A_209, %jit3A_210, %jit3A_207 : i32
        %rem3A_212 = arith.remsi %sub3A_179, %select_n3A_211 : i32
        %ne3A_213 = arith.constant 0 : i32
        %ne3A_214 = arith.cmpi ne, %rem3A_212, %ne3A_213 : i32
        %lt3A_215 = arith.constant 0 : i32
        %lt3A_216 = arith.cmpi slt, %rem3A_212, %lt3A_215 : i32
        %lt3A_217 = arith.constant 0 : i32
        %lt3A_218 = arith.cmpi slt, %select_n3A_211, %lt3A_217 : i32
        %ne3A_219 = arith.xori %lt3A_216, %lt3A_218 : i1
        %and3A_220 = arith.andi %ne3A_219, %ne3A_214 : i1
        %add3A_221 = arith.addi %rem3A_212, %select_n3A_211 : i32
        %select_n3A_222 = arith.select %and3A_220, %add3A_221, %rem3A_212 : i32
        %mul3A_223 = arith.constant 64 : i32
        %mul3A_224 = arith.muli %select_n3A_222, %mul3A_223 : i32
        %dma_wait3A_225 = tpu.memref_slice %arg4[%add3A_206, %mul3A_224] : memref<102400x128xf32, #tpu.memory_space<hbm>> -> memref<128x64xf32, #tpu.memory_space<hbm>>
        %dma_wait3A_226 = tpu.memref_slice %arg4[%add3A_206, %mul3A_224] : memref<102400x128xf32, #tpu.memory_space<hbm>> -> memref<128x64xf32, #tpu.memory_space<hbm>>
        tpu.wait_dma2 semaphore(%arg10 : memref<!tpu.dma_semaphore, #tpu.memory_space<semaphore_mem>>) src(%arg6 : memref<128x64xf32, #tpu.memory_space<vmem>>) dst(%dma_wait3A_226 : memref<128x64xf32, #tpu.memory_space<hbm>>)
      } else {
      }
      %jit3A_67 = arith.constant 2 : i32
      %div3A_68 = arith.divsi %mul3A_47, %jit3A_67 : i32
      %sign3A_69 = arith.constant 0 : i32
      %sign3A_70 = arith.cmpi sgt, %mul3A_47, %sign3A_69 : i32
      %sign3A_71 = arith.extui %sign3A_70 : i1 to i32
      %sign3A_72 = arith.constant 0 : i32
      %sign3A_73 = arith.cmpi slt, %mul3A_47, %sign3A_72 : i32
      %sign3A_74 = arith.extui %sign3A_73 : i1 to i32
      %sign3A_75 = arith.subi %sign3A_71, %sign3A_74 : i32
      %sign3A_76 = arith.constant 0 : i32
      %sign3A_77 = arith.cmpi sgt, %jit3A_67, %sign3A_76 : i32
      %sign3A_78 = arith.extui %sign3A_77 : i1 to i32
      %sign3A_79 = arith.constant 0 : i32
      %sign3A_80 = arith.cmpi slt, %jit3A_67, %sign3A_79 : i32
      %sign3A_81 = arith.extui %sign3A_80 : i1 to i32
      %sign3A_82 = arith.subi %sign3A_78, %sign3A_81 : i32
      %ne3A_83 = arith.cmpi ne, %sign3A_75, %sign3A_82 : i32
      %rem3A_84 = arith.remsi %mul3A_47, %jit3A_67 : i32
      %ne3A_85 = arith.constant 0 : i32
      %ne3A_86 = arith.cmpi ne, %rem3A_84, %ne3A_85 : i32
      %and3A_87 = arith.andi %ne3A_83, %ne3A_86 : i1
      %sub3A_88 = arith.constant 1 : i32
      %sub3A_89 = arith.subi %div3A_68, %sub3A_88 : i32
      %select_n3A_90 = arith.select %and3A_87, %sub3A_89, %div3A_68 : i32
      %mul3A_91 = arith.constant 128 : i32
      %mul3A_92 = arith.muli %select_n3A_90, %mul3A_91 : i32
      %add3A_93 = arith.addi %mul3A_22, %mul3A_92 : i32
      %jit3A_94 = arith.constant 2 : i32
      %eq3A_95 = arith.constant 0 : i32
      %eq3A_96 = arith.cmpi eq, %jit3A_94, %eq3A_95 : i32
      %jit3A_97 = arith.constant 1 : i32
      %select_n3A_98 = arith.select %eq3A_96, %jit3A_97, %jit3A_94 : i32
      %rem3A_99 = arith.remsi %mul3A_47, %select_n3A_98 : i32
      %ne3A_100 = arith.constant 0 : i32
      %ne3A_101 = arith.cmpi ne, %rem3A_99, %ne3A_100 : i32
      %lt3A = arith.constant 0 : i32
      %lt3A_102 = arith.cmpi slt, %rem3A_99, %lt3A : i32
      %lt3A_103 = arith.constant 0 : i32
      %lt3A_104 = arith.cmpi slt, %select_n3A_98, %lt3A_103 : i32
      %ne3A_105 = arith.xori %lt3A_102, %lt3A_104 : i1
      %and3A_106 = arith.andi %ne3A_105, %ne3A_101 : i1
      %add3A_107 = arith.addi %rem3A_99, %select_n3A_98 : i32
      %select_n3A_108 = arith.select %and3A_106, %add3A_107, %rem3A_99 : i32
      %mul3A_109 = arith.constant 64 : i32
      %mul3A_110 = arith.muli %select_n3A_108, %mul3A_109 : i32
      %dma_start3A_111 = tpu.memref_slice %arg4[%add3A_93, %mul3A_110] : memref<102400x128xf32, #tpu.memory_space<hbm>> -> memref<128x64xf32, #tpu.memory_space<hbm>>
      %dma_start3A_112 = tpu.memref_slice %arg4[%add3A_93, %mul3A_110] : memref<102400x128xf32, #tpu.memory_space<hbm>> -> memref<128x64xf32, #tpu.memory_space<hbm>>
      tpu.enqueue_dma source(%arg6 : memref<128x64xf32, #tpu.memory_space<vmem>>) target(%dma_start3A_112 : memref<128x64xf32, #tpu.memory_space<hbm>>) target_semaphore(%arg10 : memref<!tpu.dma_semaphore, #tpu.memory_space<semaphore_mem>>)
      %lt3A_113 = arith.constant 24 : i32
      %lt3A_114 = arith.cmpi slt, %scan3A_45, %lt3A_113 : i32
      %convert_element_type3A_115 = arith.extui %lt3A_114 : i1 to i32
      %cond3A_116 = arith.constant 0 : i32
      %cond3A_117 = arith.cmpi ne, %convert_element_type3A_115, %cond3A_116 : i32
      scf.if %cond3A_117 {
        %add3A_178 = arith.constant 1 : i32
        %add3A_179 = arith.addi %add3A_51, %add3A_178 : i32
        %dma_start3A_180 = arith.constant 0 : i32
        %dma_start3A_181 = tpu.memref_slice %arg5[%add3A_179, %dma_start3A_180] : memref<50x128xi32, #tpu.memory_space<vmem>> -> memref<1x128xi32, #tpu.memory_space<vmem>>
        %dma_start3A_182 = tpu.memref_squeeze %dma_start3A_181 : memref<1x128xi32, #tpu.memory_space<vmem>> -> memref<128xi32, #tpu.memory_space<vmem>>
        %dma_start3A_183 = arith.constant 0 : i32
        %dma_start3A_184 = arith.constant 0 : i32
        %dma_start3A_185 = tpu.memref_slice %arg2[%dma_start3A_183, %dma_start3A_184] : memref<100000x64xf32, #tpu.memory_space<hbm>> -> memref<100000x64xf32, #tpu.memory_space<hbm>>
        tpu.enqueue_indirect_dma source(%dma_start3A_185 : memref<100000x64xf32, #tpu.memory_space<hbm>>) target(%arg6 : memref<128x64xf32, #tpu.memory_space<vmem>>) offsets(%dma_start3A_182 : memref<128xi32, #tpu.memory_space<vmem>>) semaphore(%arg8 : memref<!tpu.dma_semaphore, #tpu.memory_space<semaphore_mem>>)
      } else {
      }
      %eq3A_118 = arith.constant 0 : i32
      %eq3A_119 = arith.cmpi eq, %scan3A_45, %eq3A_118 : i32
      %dma_wait3A_120 = arith.constant 0 : i32
      %dma_wait3A_121 = tpu.memref_slice %arg5[%add3A_51, %dma_wait3A_120] : memref<50x128xi32, #tpu.memory_space<vmem>> -> memref<1x128xi32, #tpu.memory_space<vmem>>
      %dma_wait3A_122 = tpu.memref_squeeze %dma_wait3A_121 : memref<1x128xi32, #tpu.memory_space<vmem>> -> memref<128xi32, #tpu.memory_space<vmem>>
      %dma_wait3A_123 = arith.constant 0 : i32
      %dma_wait3A_124 = arith.constant 0 : i32
      %dma_wait3A_125 = tpu.memref_slice %arg2[%dma_wait3A_123, %dma_wait3A_124] : memref<100000x64xf32, #tpu.memory_space<hbm>> -> memref<100000x64xf32, #tpu.memory_space<hbm>>
      tpu.wait_indirect_dma semaphore(%arg9 : memref<!tpu.dma_semaphore, #tpu.memory_space<semaphore_mem>>) src(%dma_wait3A_125 : memref<100000x64xf32, #tpu.memory_space<hbm>>) dst(%arg7 : memref<128x64xf32, #tpu.memory_space<vmem>>)
      %not3A_126 = arith.constant true
      %not3A_127 = arith.xori %eq3A_119, %not3A_126 : i1
      %convert_element_type3A_128 = arith.extui %not3A_127 : i1 to i32
      %cond3A_129 = arith.constant 0 : i32
      %cond3A_130 = arith.cmpi ne, %convert_element_type3A_128, %cond3A_129 : i32
      scf.if %cond3A_130 {
        %sub3A_178 = arith.constant 2 : i32
        %sub3A_179 = arith.subi %add3A_51, %sub3A_178 : i32
        %jit3A_180 = arith.constant 2 : i32
        %div3A_181 = arith.divsi %sub3A_179, %jit3A_180 : i32
        %sign3A_182 = arith.constant 0 : i32
        %sign3A_183 = arith.cmpi sgt, %sub3A_179, %sign3A_182 : i32
        %sign3A_184 = arith.extui %sign3A_183 : i1 to i32
        %sign3A_185 = arith.constant 0 : i32
        %sign3A_186 = arith.cmpi slt, %sub3A_179, %sign3A_185 : i32
        %sign3A_187 = arith.extui %sign3A_186 : i1 to i32
        %sign3A_188 = arith.subi %sign3A_184, %sign3A_187 : i32
        %sign3A_189 = arith.constant 0 : i32
        %sign3A_190 = arith.cmpi sgt, %jit3A_180, %sign3A_189 : i32
        %sign3A_191 = arith.extui %sign3A_190 : i1 to i32
        %sign3A_192 = arith.constant 0 : i32
        %sign3A_193 = arith.cmpi slt, %jit3A_180, %sign3A_192 : i32
        %sign3A_194 = arith.extui %sign3A_193 : i1 to i32
        %sign3A_195 = arith.subi %sign3A_191, %sign3A_194 : i32
        %ne3A_196 = arith.cmpi ne, %sign3A_188, %sign3A_195 : i32
        %rem3A_197 = arith.remsi %sub3A_179, %jit3A_180 : i32
        %ne3A_198 = arith.constant 0 : i32
        %ne3A_199 = arith.cmpi ne, %rem3A_197, %ne3A_198 : i32
        %and3A_200 = arith.andi %ne3A_196, %ne3A_199 : i1
        %sub3A_201 = arith.constant 1 : i32
        %sub3A_202 = arith.subi %div3A_181, %sub3A_201 : i32
        %select_n3A_203 = arith.select %and3A_200, %sub3A_202, %div3A_181 : i32
        %mul3A_204 = arith.constant 128 : i32
        %mul3A_205 = arith.muli %select_n3A_203, %mul3A_204 : i32
        %add3A_206 = arith.addi %mul3A_22, %mul3A_205 : i32
        %jit3A_207 = arith.constant 2 : i32
        %eq3A_208 = arith.constant 0 : i32
        %eq3A_209 = arith.cmpi eq, %jit3A_207, %eq3A_208 : i32
        %jit3A_210 = arith.constant 1 : i32
        %select_n3A_211 = arith.select %eq3A_209, %jit3A_210, %jit3A_207 : i32
        %rem3A_212 = arith.remsi %sub3A_179, %select_n3A_211 : i32
        %ne3A_213 = arith.constant 0 : i32
        %ne3A_214 = arith.cmpi ne, %rem3A_212, %ne3A_213 : i32
        %lt3A_215 = arith.constant 0 : i32
        %lt3A_216 = arith.cmpi slt, %rem3A_212, %lt3A_215 : i32
        %lt3A_217 = arith.constant 0 : i32
        %lt3A_218 = arith.cmpi slt, %select_n3A_211, %lt3A_217 : i32
        %ne3A_219 = arith.xori %lt3A_216, %lt3A_218 : i1
        %and3A_220 = arith.andi %ne3A_219, %ne3A_214 : i1
        %add3A_221 = arith.addi %rem3A_212, %select_n3A_211 : i32
        %select_n3A_222 = arith.select %and3A_220, %add3A_221, %rem3A_212 : i32
        %mul3A_223 = arith.constant 64 : i32
        %mul3A_224 = arith.muli %select_n3A_222, %mul3A_223 : i32
        %dma_wait3A_225 = tpu.memref_slice %arg4[%add3A_206, %mul3A_224] : memref<102400x128xf32, #tpu.memory_space<hbm>> -> memref<128x64xf32, #tpu.memory_space<hbm>>
        %dma_wait3A_226 = tpu.memref_slice %arg4[%add3A_206, %mul3A_224] : memref<102400x128xf32, #tpu.memory_space<hbm>> -> memref<128x64xf32, #tpu.memory_space<hbm>>
        tpu.wait_dma2 semaphore(%arg11 : memref<!tpu.dma_semaphore, #tpu.memory_space<semaphore_mem>>) src(%arg7 : memref<128x64xf32, #tpu.memory_space<vmem>>) dst(%dma_wait3A_226 : memref<128x64xf32, #tpu.memory_space<hbm>>)
      } else {
      }
      %jit3A_131 = arith.constant 2 : i32
      %div3A_132 = arith.divsi %add3A_51, %jit3A_131 : i32
      %sign3A_133 = arith.constant 0 : i32
      %sign3A_134 = arith.cmpi sgt, %add3A_51, %sign3A_133 : i32
      %sign3A_135 = arith.extui %sign3A_134 : i1 to i32
      %sign3A_136 = arith.constant 0 : i32
      %sign3A_137 = arith.cmpi slt, %add3A_51, %sign3A_136 : i32
      %sign3A_138 = arith.extui %sign3A_137 : i1 to i32
      %sign3A_139 = arith.subi %sign3A_135, %sign3A_138 : i32
      %sign3A_140 = arith.constant 0 : i32
      %sign3A_141 = arith.cmpi sgt, %jit3A_131, %sign3A_140 : i32
      %sign3A_142 = arith.extui %sign3A_141 : i1 to i32
      %sign3A_143 = arith.constant 0 : i32
      %sign3A_144 = arith.cmpi slt, %jit3A_131, %sign3A_143 : i32
      %sign3A_145 = arith.extui %sign3A_144 : i1 to i32
      %sign3A_146 = arith.subi %sign3A_142, %sign3A_145 : i32
      %ne3A_147 = arith.cmpi ne, %sign3A_139, %sign3A_146 : i32
      %rem3A_148 = arith.remsi %add3A_51, %jit3A_131 : i32
      %ne3A_149 = arith.constant 0 : i32
      %ne3A_150 = arith.cmpi ne, %rem3A_148, %ne3A_149 : i32
      %and3A_151 = arith.andi %ne3A_147, %ne3A_150 : i1
      %sub3A_152 = arith.constant 1 : i32
      %sub3A_153 = arith.subi %div3A_132, %sub3A_152 : i32
      %select_n3A_154 = arith.select %and3A_151, %sub3A_153, %div3A_132 : i32
      %mul3A_155 = arith.constant 128 : i32
      %mul3A_156 = arith.muli %select_n3A_154, %mul3A_155 : i32
      %add3A_157 = arith.addi %mul3A_22, %mul3A_156 : i32
      %jit3A_158 = arith.constant 2 : i32
      %eq3A_159 = arith.constant 0 : i32
      %eq3A_160 = arith.cmpi eq, %jit3A_158, %eq3A_159 : i32
      %jit3A_161 = arith.constant 1 : i32
      %select_n3A_162 = arith.select %eq3A_160, %jit3A_161, %jit3A_158 : i32
      %rem3A_163 = arith.remsi %add3A_51, %select_n3A_162 : i32
      %ne3A_164 = arith.constant 0 : i32
      %ne3A_165 = arith.cmpi ne, %rem3A_163, %ne3A_164 : i32
      %lt3A_166 = arith.constant 0 : i32
      %lt3A_167 = arith.cmpi slt, %rem3A_163, %lt3A_166 : i32
      %lt3A_168 = arith.constant 0 : i32
      %lt3A_169 = arith.cmpi slt, %select_n3A_162, %lt3A_168 : i32
      %ne3A_170 = arith.xori %lt3A_167, %lt3A_169 : i1
      %and3A_171 = arith.andi %ne3A_170, %ne3A_165 : i1
      %add3A_172 = arith.addi %rem3A_163, %select_n3A_162 : i32
      %select_n3A_173 = arith.select %and3A_171, %add3A_172, %rem3A_163 : i32
      %mul3A_174 = arith.constant 64 : i32
      %mul3A_175 = arith.muli %select_n3A_173, %mul3A_174 : i32
      %dma_start3A_176 = tpu.memref_slice %arg4[%add3A_157, %mul3A_175] : memref<102400x128xf32, #tpu.memory_space<hbm>> -> memref<128x64xf32, #tpu.memory_space<hbm>>
      %dma_start3A_177 = tpu.memref_slice %arg4[%add3A_157, %mul3A_175] : memref<102400x128xf32, #tpu.memory_space<hbm>> -> memref<128x64xf32, #tpu.memory_space<hbm>>
      tpu.enqueue_dma source(%arg7 : memref<128x64xf32, #tpu.memory_space<vmem>>) target(%dma_start3A_177 : memref<128x64xf32, #tpu.memory_space<hbm>>) target_semaphore(%arg11 : memref<!tpu.dma_semaphore, #tpu.memory_space<semaphore_mem>>)
    }
    %scan3A_33 = arith.constant 25 : i32
    %add3A_34 = arith.constant 3072 : i32
    %add3A_35 = arith.addi %mul3A_22, %add3A_34 : i32
    %dma_wait3A = arith.constant 0 : i32
    %dma_wait3A_36 = tpu.memref_slice %arg4[%add3A_35, %dma_wait3A] : memref<102400x128xf32, #tpu.memory_space<hbm>> -> memref<128x64xf32, #tpu.memory_space<hbm>>
    %dma_wait3A_37 = arith.constant 0 : i32
    %dma_wait3A_38 = tpu.memref_slice %arg4[%add3A_35, %dma_wait3A_37] : memref<102400x128xf32, #tpu.memory_space<hbm>> -> memref<128x64xf32, #tpu.memory_space<hbm>>
    tpu.wait_dma2 semaphore(%arg10 : memref<!tpu.dma_semaphore, #tpu.memory_space<semaphore_mem>>) src(%arg6 : memref<128x64xf32, #tpu.memory_space<vmem>>) dst(%dma_wait3A_38 : memref<128x64xf32, #tpu.memory_space<hbm>>)
    %add3A_39 = arith.constant 3072 : i32
    %add3A_40 = arith.addi %mul3A_22, %add3A_39 : i32
    %dma_wait3A_41 = arith.constant 64 : i32
    %dma_wait3A_42 = tpu.memref_slice %arg4[%add3A_40, %dma_wait3A_41] : memref<102400x128xf32, #tpu.memory_space<hbm>> -> memref<128x64xf32, #tpu.memory_space<hbm>>
    %dma_wait3A_43 = arith.constant 64 : i32
    %dma_wait3A_44 = tpu.memref_slice %arg4[%add3A_40, %dma_wait3A_43] : memref<102400x128xf32, #tpu.memory_space<hbm>> -> memref<128x64xf32, #tpu.memory_space<hbm>>
    tpu.wait_dma2 semaphore(%arg11 : memref<!tpu.dma_semaphore, #tpu.memory_space<semaphore_mem>>) src(%arg7 : memref<128x64xf32, #tpu.memory_space<vmem>>) dst(%dma_wait3A_44 : memref<128x64xf32, #tpu.memory_space<hbm>>)
    return
  }
}

module attributes {stable_mosaic.version = 14 : i64} {
  func.func @_tc_transpose_body(%arg0: i32, %arg1: memref<3200x128xf32, #tpu.memory_space<vmem>>, %arg2: memref<3200x128xf32, #tpu.memory_space<vmem>>) attributes {dimension_semantics = [#tpu.dimension_semantics<arbitrary>], iteration_bounds = array<i64: 32>, scalar_prefetch = 0 : i64, scratch_operands = 0 : i64, tpu.core_type = #tpu.core_type<tc>, window_params = [{transform_indices = @transform_0, window_bounds = array<i64: 3200, 128>}, {transform_indices = @transform_1, window_bounds = array<i64: 3200, 128>}]} {
    %get3A = arith.constant 0 : index
    %get3A_0 = arith.constant 0 : index
    %get3A_1 = vector.load %arg1[%get3A, %get3A_0] : memref<3200x128xf32, #tpu.memory_space<vmem>>, vector<3200x128xf32>
    %reshape3A = vector.shape_cast %get3A_1 : vector<3200x128xf32> to vector<25x128x128xf32>
    %transpose3A = tpu.transpose %reshape3A, [0, 2, 1] : vector<25x128x128xf32> -> vector<25x128x128xf32>
    %reshape3A_2 = vector.shape_cast %transpose3A : vector<25x128x128xf32> to vector<3200x128xf32>
    %swap3A = arith.constant 0 : index
    %swap3A_3 = arith.constant 0 : index
    %swap3A_4 = vector.load %arg2[%swap3A, %swap3A_3] : memref<3200x128xf32, #tpu.memory_space<vmem>>, vector<3200x128xf32>
    tpu.vector_store %arg2[%swap3A, %swap3A_3], %reshape3A_2 {strides = array<i32>} : memref<3200x128xf32, #tpu.memory_space<vmem>>, vector<3200x128xf32>,
    return
  }
  func.func @transform_0(%arg0: i32) -> (i32, i32) {
    %c0_i32 = arith.constant 0 : i32
    %c0_i32_0 = arith.constant 0 : i32
    return %arg0, %c0_i32 : i32, i32
  }
  func.func @transform_1(%arg0: i32) -> (i32, i32) {
    %c0_i32 = arith.constant 0 : i32
    %c0_i32_0 = arith.constant 0 : i32
    return %c0_i32, %arg0 : i32, i32
  }
}

</mosaic_0001>

<sc_bundles>
// kernel: kernel.4.cloned.1.call-start
scs
__scs_entry_jumppad:
0x0: {  	(pc) =	sbr.rel $0x88, $3  }
0x1: {  	(tag) =	ssettag $0x0;
	lr =	simm.s32 $0x1  }
0x2: {  	[smem:$0x3F9F] =	sst lr;
	_ =	strace $0xD0000000  }
0x3: {  	_ = 	snop  }
0x4: {  	_ = 	snop  }
0x5: {  	_ = 	snop  }
0x6: {  	_ = 	snop  }
0x7: {  	_ = 	snop  }
__scs_overlays_trampoline_lowered:
0x8: {  	[smem:$0x3FAE] =	sst s0  }
0x9: {  	[smem:$0x3FAF] =	sst s1  }
0xa: {  	[smem:$0x3FB0] =	sst s2  }
0xb: {  	[smem:$0x3FB1] =	sst s3  }
0xc: {  	[smem:$0x3FB2] =	sst s4  }
0xd: {  	[smem:$0x3FB3] =	sst s5  }
0xe: {  	[smem:$0x3FB4] =	sst s6  }
0xf: {  	[smem:$0x3FB5] =	sst s7  }
0x10: {  	[smem:$0x3FB6] =	sst s8  }
0x11: {  	[smem:$0x3FB7] =	sst s9;
	s0 =	simm.s32 @!p0 $0x0  }
0x12: {  	s1 =	sld [smem:$0x3F9D];
	s0 =	simm.s32 @p0 $0x1  }
0x13: {  	[smem:$0x3FB8] =	sst s0;
	s0 =	simm.s32 @!p1 $0x0  }
0x14: {  	s2 =	sld [smem:$0x3F9C];
	s0 =	simm.s32 @p1 $0x1  }
0x15: {  	[smem:$0x3FB9] =	sst s0;
	s0 =	simm.s32 @!p2 $0x0  }
0x16: {  	s3 =	sld [smem:$0x3FDB];
	s0 =	simm.s32 @p2 $0x1  }
0x17: {  	s4 =	simm.s32 $0x1BF5;
	[smem:$0x3FBB] =	sst s0  }
0x18: {  	s0 =	sld [smem:$0x3F9E];
	_ =	swait.ge [sflag:s4], $0x0  }
0x19: {  	s7 =	sld [smem:$0x3F9F]  }
0x1a: {  	s8 =	sadd.s32 $0xFFFFE003, lr  }
0x1b: {  	s9 =	sadd.s32 $0xFFFFFEF7, lr;
	s5 =	simm.s32 $0xFFFFFFFF;
	p2 =	slt.u32 s8, $0xFFFFF086  }
0x1c: {  	p1 =	slt.u32 s9, $0xF7A;
	s5 =	simm.s32 @!p2 $0x0  }
0x1d: {  	s5 =	simm.s32 @p1 $0x1;
	p0 =	seq.s32 s7, s2  }
0x1e: {  	s7 =	smul.u32 @!p0 $0xF7A, s2;
	p2 =	seq.s32 @!p0 s5, $0x0  }
0x1f: {  	s9 =	smul.u32 $0xF7A, s1;
	s8 =	simm.s32 @!p0 $0x1BF5;
	p2 =	por !p2, p0  }
0x20: {  	[sflag:s8] =	ssyncset.s32 @!p0 $0xFFFFF086;
	s6 =	sadd.s32 @!p0 s3, s7;
	s7 =	simm.s32 @!p0 $0x108  }
0x21: {  	s3 =	sadd.s32 s3, s9;
	s6 =	sadd.s32 @!p0 $0x88, s6;
	s7 =	simm.s32 @p2 $0x1082  }
0x22: {  	[simem:s7], [sflag:s8] =	dma.local @!p0 [hbm:s6], $0xF7A  }
0x23: {  	s9 =	sor.u32 $0xD0000000, s2;
	s6 =	simm.s32 $0x108;
	_ =	swait.ge @!p0 [sflag:s8], $0x0  }
0x24: {  	s3 =	sadd.s32 $0x88, s3;
	s6 =	simm.s32 @!p1 $0x1082;
	[sflag:s4] =	ssyncset.s32 $0xFFFFF086  }
0x25: {  	[simem:s6], [sflag:s4] =	dma.local [hbm:s3], $0xF7A  }
0x26: {  	[smem:$0x3F9F] =	sst s1;
	(tag) =	ssettag s2;
	_ =	strace s9  }
0x27: {  	s1 =	sld [smem:$0x3FAF]  }
0x28: {  	s2 =	sld [smem:$0x3FB0]  }
0x29: {  	s4 =	sld [smem:$0x3FB2]  }
0x2a: {  	p0 =	seq.s32 s5, $0x0;
	s5 =	sld [smem:$0x3FB3]  }
0x2b: {  	s6 =	sld [smem:$0x3FB4]  }
0x2c: {  	s7 =	sld [smem:$0x3FB5]  }
0x2d: {  	s3 =	simm.s32 $0x108;
	s8 =	sld [smem:$0x3FB6]  }
0x2e: {  	s3 =	simm.s32 @!p0 $0x1082;
	s9 =	sld [smem:$0x3FB7]  }
0x2f: {  	lr =	sadd.s32 s0, s3;
	s0 =	sld [smem:$0x3FAE]  }
0x30: {  	s3 =	sld [smem:$0x3FB1]  }
0x31: {  	[smem:$0x3FBA] =	sst s10  }
0x32: {  	s10 =	sld [smem:$0x3FB8];
	_ =	sdelay $0x3  }
0x33: {  	p0 =	seq.s32 s10, $0x1;
	s10 =	sld [smem:$0x3FBA];
	_ =	sdelay $0x3  }
0x34: {  	[smem:$0x3FBA] =	sst s10  }
0x35: {  	s10 =	sld [smem:$0x3FB9];
	_ =	sdelay $0x3  }
0x36: {  	p1 =	seq.s32 s10, $0x1;
	s10 =	sld [smem:$0x3FBA];
	_ =	sdelay $0x3  }
0x37: {  	[smem:$0x3FBA] =	sst s10  }
0x38: {  	s10 =	sld [smem:$0x3FBB]  }
0x39: {  	_ = 	snop;
	(pc) =	sbr.ind lr, $3  }
0x3a: {  	_ = 	snop  }
0x3b: {  	_ = 	snop  }
0x3c: {  	p2 =	seq.s32 s10, $0x1;
	s10 =	sld [smem:$0x3FBA]  }
0x3d: {  	_ =	shalt  }
0x3e: {  	_ =	shalt  }
0x3f: {  	_ =	shalt  }
0x40: {  	_ =	shalt  }
0x41: {  	_ =	shalt  }
0x42: {  	_ =	shalt  }
0x43: {  	_ =	shalt  }
0x44: {  	_ =	shalt  }
0x45: {  	_ =	shalt  }
0x46: {  	_ =	shalt  }
0x47: {  	_ =	shalt  }
0x48: {  	_ =	shalt  }
0x49: {  	_ =	shalt  }
0x4a: {  	_ =	shalt  }
0x4b: {  	_ =	shalt  }
0x4c: {  	_ =	shalt  }
0x4d: {  	_ =	shalt  }
0x4e: {  	_ =	shalt  }
0x4f: {  	_ =	shalt  }
0x50: {  	_ =	shalt  }
0x51: {  	_ =	shalt  }
0x52: {  	_ =	shalt  }
0x53: {  	_ =	shalt  }
0x54: {  	_ =	shalt  }
0x55: {  	_ =	shalt  }
0x56: {  	_ =	shalt  }
0x57: {  	_ =	shalt  }
0x58: {  	_ =	shalt  }
0x59: {  	_ =	shalt  }
0x5a: {  	_ =	shalt  }
0x5b: {  	_ =	shalt  }
0x5c: {  	_ =	shalt  }
0x5d: {  	_ =	shalt  }
0x5e: {  	_ =	shalt  }
0x5f: {  	_ =	shalt  }
0x60: {  	_ =	shalt  }
0x61: {  	_ =	shalt  }
0x62: {  	_ =	shalt  }
0x63: {  	_ =	shalt  }
0x64: {  	_ =	shalt  }
0x65: {  	_ =	shalt  }
0x66: {  	_ =	shalt  }
0x67: {  	_ =	shalt  }
0x68: {  	_ =	shalt  }
0x69: {  	_ =	shalt  }
0x6a: {  	_ =	shalt  }
0x6b: {  	_ =	shalt  }
0x6c: {  	_ =	shalt  }
0x6d: {  	_ =	shalt  }
0x6e: {  	_ =	shalt  }
0x6f: {  	_ =	shalt  }
0x70: {  	_ =	shalt  }
0x71: {  	_ =	shalt  }
0x72: {  	_ =	shalt  }
0x73: {  	_ =	shalt  }
0x74: {  	_ =	shalt  }
0x75: {  	_ =	shalt  }
0x76: {  	_ =	shalt  }
0x77: {  	_ =	shalt  }
0x78: {  	_ =	shalt  }
0x79: {  	_ =	shalt  }
0x7a: {  	_ =	shalt  }
0x7b: {  	_ =	shalt  }
0x7c: {  	_ =	shalt  }
0x7d: {  	_ =	shalt  }
0x7e: {  	_ =	shalt  }
0x7f: {  	_ =	shalt  }
0x80: {  	_ =	shalt  }
0x81: {  	_ =	shalt  }
0x82: {  	_ =	shalt  }
0x83: {  	_ =	shalt  }
0x84: {  	_ =	shalt  }
0x85: {  	_ =	shalt  }
0x86: {  	_ =	shalt  }
0x87: {  	_ =	shalt  }
.Lfunc_end0:
.L_simem_size_0:
called_computation_lowered:
.L_overlay_start_0:
0x88: {  	s2 =	sld [smem:$0x3FD9]  }
0x89: {  	s3 =	sld [smem:$0x3FFE];
	_ =	sdelay $0x1  }
0x8a: {  	s1 =	srdreg.scid  }
0x8b: {  	s0 =	sand.u32 $0x1, s1  }
0x8c: {  	s16 =	sshll.u32 s0, $0xA;
	s2 =	sadd.s32 s3, s2  }
0x8d: {  	s2 =	sadd.s32 s2, s16  }
0x8e: {  	[smem:$0x3FC6] =	sst s2  }
0x8f: {  	_ = 	snop  }
0x90: {  	(tm) =	ssettm $0x1  }
0x91: {  	s17 =	sld [smem:$0x3FFB];
	_ =	sdelay $0x3  }
0x92: {  	_ =	strace s17  }
0x93: {  	s2 =	sld [smem:$0x3FFC];
	_ =	sdelay $0x3  }
0x94: {  	_ =	strace s2  }
0x95: {  	s2 =	sld [smem:$0x3FFD];
	_ =	sdelay $0x3  }
0x96: {  	_ =	strace s2  }
0x97: {  	_ =	strace $0x8FFFFFFF  }
0x98: {  	s18 =	sld [smem:$0x3FDB];
	_ =	sdelay $0x1  }
0x99: {  	s19 =	simm.s32 $_scs_section_size  }
0x9a: {  	s4 =	simm.s32 $_size__tile_overlayer_lowered;
	s5 =	simm.s32 $_tile_overlayer_lowered  }
0x9b: {  	s22 =	simm.s32 $0x1BFF;
	s21 =	sshll.u32 s5, $0x1;
	s2 =	sadd.s32 s19, s18  }
0x9c: {  	s6 =	simm.s32 $0x0;
	s20 =	sshll.u32 s4, $0x1;
	s4 =	sadd.s32 s21, s2  }
0x9d: {  	[timem:s6], [sflag:s22] =	dma.local [hbm:s4], s20  }
0x9e: {  	_ =	swait.ge [sflag:s22], s20  }
0x9f: {  	s3 =	ssub.s32 $0x0, s20;
	[sflag:s22] =	ssyncset.done $0x0  }
0xa0: {  	[sflag:s22] =	ssyncadd.s32 s3;
	_ =	sdelay $0x1  }
0xa1: {  	s23 =	simm.s32 $0x1B8B  }
0xa2: {  	_ =	swait.ge [sflag:s23], $0x1  }
0xa3: {  	[sflag:s23] =	ssyncset.done $0x0  }
0xa4: {  	s25 =	simm.s32 $0x1B8E;
	s24 =	sld [smem:$0x3FFE];
	[sflag:s23] =	ssyncadd.s32 $0xFFFFFFFF  }
0xa5: {  	s26 =	simm.s32 $execute0_lowered;
	[smem:$0x3FD2] =	sst s25  }
0xa6: {  	s4 =	sshll.u32 s26, $0x1;
	_ =	strace $0x80000046;
	[dreg:$0x1] =	wrdreg $0xFFFFFFFF  }
0xa7: {  	s28 =	simm.s32 $_size_execute0_lowered;
	s2 =	sadd.s32 s2, s4;
	[dreg:$0x0] =	wrdreg $0x0  }
0xa8: {  	s4 =	sshll.u32 s28, $0x1;
	[dreg:$0x2] =	wrdreg s2  }
0xa9: {  	[dreg:$0x3] =	wrdreg s4  }
0xaa: {  	[dreg:$0x4] =	wrdreg $0xC0  }
0xab: {  	_ =	task [dreg:s6], $0x5FFFF  }
0xac: {  	[dreg:$0x1] =	wrdreg $0xFFFFFFFF  }
0xad: {  	[dreg:$0x0] =	wrdreg $0x60  }
0xae: {  	[dreg:$0x2] =	wrdreg s24  }
0xaf: {  	[dreg:$0x3] =	wrdreg $0x9  }
0xb0: {  	_ =	task.clear_ibuf [dreg:s6], $0x4FFFF;
	_ =	strace $0x90000046  }
0xb1: {  	s29 =	simm.s32 $0x9;
	_ =	strace $0x80000048  }
0xb2: {  	_ =	swait.ge [sflag:s29], $0x1  }
0xb3: {  	[sflag:s29] =	ssyncadd.s32 $0xFFFFFFFF  }
0xb4: {  	_ =	strace $0x90000048  }
0xb5: {  	_ =	sfence  }
0xb6: {  	s30 =	sld [smem:$0x0];
	_ =	sdelay $0x2  }
0xb7: {  	s31 =	sshll.u32 s1, $0xD;
	s1 =	sshrl.u32 s1, $0x2  }
0xb8: {  	s3 =	sand.u32 $0x4000, s31;
	s1 =	sadd.s32 s1, s30  }
0xb9: {  	s0 =	sor.u32 s3, s0;
	s1 =	sshll.u32 s1, $0x11  }
0xba: {  	s0 =	sor.u32 s1, s0  }
0xbb: {  	s0 =	sadd.s32 $0x8F2B, s0  }
0xbc: {  	[sflag:s0] =	ssyncadd.remote.s32 $0x1  }
0xbd: {  	_ =	sfence.sel $0xFFFF  }
0xbe: {  	[dreg:$0x0] =	wrdreg $0xFFFFFFFF;
	(pc) =	sbr.abs _section_cstart, $3  }
0xbf: {  	[dreg:$0x1] =	wrdreg $0xFFFFFFFF  }
0xc0: {  	_ =	task.clear_ibuf [dreg:s6], $0x2FFFF;
	_ =	strace $0x9FFFFFFF  }
0xc1: {  	(tm) =	ssettm $0x7FFFFFFF  }
tec
execute0_lowered:
.L_overlay_start_1:
0x0: {  	(tag) =	ssettag $0x1  }
0x1: {  	s6 =	rddreg [dreg:$0x0]  }
0x2: {  	s0 =	rddreg [dreg:$0x1];
	s2 =	simm.s32 $0x0;
	s3 =	srdreg.scid  }
0x3: {  	s1 =	stileid.u32;
	s14 =	simm.s32 $0x1000;
	s15 =	simm.s32 $0x5  }
0x4: {  	s16 =	simm.s32 $0x1900;
	s17 =	simm.s32 $0x3900;
	s18 =	simm.s32 $0x1  }
0x5: {  	s19 =	simm.s32 $0x40;
	s20 =	simm.s32 $0x100;
	s21 =	simm.s32 $0x2  }
0x6: {  	s22 =	simm.s32 $0x3;
	s23 =	simm.s32 $0x4;
	s24 =	simm.s32 $0x1880  }
0x7: {  	s25 =	simm.s32 $0x0;
	[smem:$0x7FF] =	sst s2;
	s8 =	sand.u32 $0x1, s3  }
0x8: {  	s30 =	sshll.u32 s1, $0x1;
	s3 =	sadd.s32 $0x6800, s6;
	s12 =	smul.u32 $0xC8000, s1  }
0x9: {  	_ =	strace $0x80000047;
	s4 =	sor.u32 s8, s30;
	s7 =	ssub.s32 $0x2, s8  }
0xa: {  	s13 =	smul.u32 $0x64000, s8;
	s5 =	sshll.u32 s4, $0x4;
	s9 =	sshrl.u32 s7, $0x1  }
0xb: {  	s10 =	smul.u32 $0x64000, s4;
	s4 =	sadd.s32 $0xC9E00, s6;
	s5 =	sadd.s32 s5, s6  }
0xc: {  	s7 =	ssub.s32 s7, s9;
	s6 =	sadd.s32 $0xC9E08, s6;
	s12 =	sadd.s32 s13, s12  }
0xd: {  	s13 =	simm.s32 $0x80;
	s5 =	sadd.s32 $0x400, s5;
	s31 =	sshrl.u32 s10, $0x3  }
0xe: {  	s7 =	smax.u32 s7, $0x1;
	s11 =	sadd.s32 $0xC000, s31;
	s8 =	sadd.s32 s4, s31  }
0xf: {  	s9 =	sadd.s32 s31, s6;
	s10 =	sadd.s32 s4, s11;
	s11 =	sadd.s32 s11, s6  }
.LBB2_1:
0x10: {  	[tilespmem:s2], [sflag:$0x5] =	stream.strided.gather [hbm4b:s5+s13], $0x1900, s14, s13, $0x38;
	[tilespmem:$0x5900] =	vst v63  }
0x11: {  	_ =	swait.ge [sflag:s15], $0x1900  }
0x12: {  	[sflag:s15] =	ssyncset.done $0x0  }
0x13: {  	[sflag:s15] =	ssyncadd.s32 $0xFFFFE700  }
0x14: {  	[tilespmem:s16], [sflag:$0x1] =	stream.indirect.gather [hbm4b:s3+s13], $0x40, s2, s13, $0xb8;
	[tilespmem:$0x5900] =	vst v63  }
0x15: {  	_ = 	snop  }
0x16: {  	[tilespmem:s17], [sflag:$0x2] =	stream.indirect.gather [hbm4b:s3+s13], $0x40, s13, s13, $0xb8;
	[tilespmem:$0x5900] =	vst v63  }
0x17: {  	_ =	swait.ge [sflag:s18], $0x2000  }
0x18: {  	[sflag:s18] =	ssyncset.done $0x0  }
0x19: {  	[sflag:s18] =	ssyncadd.s32 $0xFFFFE000  }
0x1a: {  	[hbm4b:s8+s19] =	stream.strided.scatter [tilespmem:s16], [sflag:$0x3], $0x2000, s13, s19, $0x38;
	[tilespmem:$0x5900] =	vst v63  }
0x1b: {  	_ = 	snop  }
0x1c: {  	[tilespmem:s16], [sflag:$0x1] =	stream.indirect.gather [hbm4b:s3+s13], $0x40, s20, s13, $0xb8;
	[tilespmem:$0x5900] =	vst v63  }
0x1d: {  	_ =	swait.ge [sflag:s21], $0x2000  }
0x1e: {  	[sflag:s21] =	ssyncset.done $0x0  }
0x1f: {  	[sflag:s21] =	ssyncadd.s32 $0xFFFFE000  }
0x20: {  	[hbm4b:s9+s19] =	stream.strided.scatter [tilespmem:s17], [sflag:$0x4], $0x2000, s13, s19, $0x38;
	[tilespmem:$0x5900] =	vst v63  }
0x21: {  	s26 =	simm.s32 $0x180  }
0x22: {  	[tilespmem:s17], [sflag:$0x2] =	stream.indirect.gather [hbm4b:s3+s13], $0x40, s26, s13, $0xb8;
	[tilespmem:$0x5900] =	vst v63  }
0x23: {  	_ =	swait.ge [sflag:s18], $0x2000  }
0x24: {  	[sflag:s18] =	ssyncset.done $0x0  }
0x25: {  	[sflag:s18] =	ssyncadd.s32 $0xFFFFE000  }
0x26: {  	s30 =	sadd.s32 $0x4000, s12;
	_ =	swait.ge [sflag:s22], $0x2000  }
0x27: {  	s28 =	sshrl.u32 s30, $0x3;
	[sflag:s22] =	ssyncset.done $0x0  }
0x28: {  	s26 =	sadd.s32 s4, s28;
	[sflag:s22] =	ssyncadd.s32 $0xFFFFE000  }
0x29: {  	[hbm4b:s26+s19] =	stream.strided.scatter [tilespmem:s16], [sflag:$0x3], $0x2000, s13, s19, $0x38;
	[tilespmem:$0x5900] =	vst v63  }
0x2a: {  	s31 =	simm.s32 $0x200  }
0x2b: {  	[tilespmem:s16], [sflag:$0x1] =	stream.indirect.gather [hbm4b:s3+s13], $0x40, s31, s13, $0xb8;
	[tilespmem:$0x5900] =	vst v63  }
0x2c: {  	_ =	swait.ge [sflag:s21], $0x2000  }
0x2d: {  	[sflag:s21] =	ssyncset.done $0x0  }
0x2e: {  	[sflag:s21] =	ssyncadd.s32 $0xFFFFE000  }
0x2f: {  	_ =	swait.ge [sflag:s23], $0x2000  }
0x30: {  	s29 =	sadd.s32 s28, s6;
	[sflag:s23] =	ssyncset.done $0x0  }
0x31: {  	s28 =	simm.s32 $0x300;
	s26 =	simm.s32 $0x8000;
	[sflag:s23] =	ssyncadd.s32 $0xFFFFE000  }
.LBB2_2:
0x32: {  	[hbm4b:s29+s19] =	stream.strided.scatter [tilespmem:s17], [sflag:$0x4], $0x2000, s13, s19, $0x38;
	[tilespmem:$0x5900] =	vst v63  }
0x33: {  	s29 =	smov.u32 s26  }
0x34: {  	s30 =	sadd.s32 $0xFFFFFF80, s28;
	p0 =	sne.s32 s26, $0x5C000;
	s26 =	sadd.s32 $0x4000, s26  }
0x35: {  	[tilespmem:s17], [sflag:$0x2] =	stream.indirect.gather [hbm4b:s3+s13], $0x40, s30, s13, $0xb8;
	[tilespmem:$0x5900] =	vst v63  }
0x36: {  	_ =	swait.ge [sflag:s18], $0x2000  }
0x37: {  	[sflag:s18] =	ssyncset.done $0x0  }
0x38: {  	[sflag:s18] =	ssyncadd.s32 $0xFFFFE000  }
0x39: {  	s29 =	sadd.s32 s29, s12;
	_ =	swait.ge [sflag:s22], $0x2000  }
0x3a: {  	s29 =	sshrl.u32 s29, $0x3;
	[sflag:s22] =	ssyncset.done $0x0  }
0x3b: {  	s30 =	sadd.s32 s4, s29;
	[sflag:s22] =	ssyncadd.s32 $0xFFFFE000  }
0x3c: {  	[hbm4b:s30+s19] =	stream.strided.scatter [tilespmem:s16], [sflag:$0x3], $0x2000, s13, s19, $0x38;
	[tilespmem:$0x5900] =	vst v63  }
0x3d: {  	_ = 	snop  }
0x3e: {  	[tilespmem:s16], [sflag:$0x1] =	stream.indirect.gather [hbm4b:s3+s13], $0x40, s28, s13, $0xb8;
	[tilespmem:$0x5900] =	vst v63  }
0x3f: {  	_ =	swait.ge [sflag:s21], $0x2000  }
.Ltmp0:
0x40: {  	[sflag:s21] =	ssyncset.done $0x0;
	(pc) =	sbr.rel @p0 .LBB2_2-.Ltmp0, $4  }
0x41: {  	[sflag:s21] =	ssyncadd.s32 $0xFFFFE000  }
0x42: {  	_ =	swait.ge [sflag:s23], $0x2000  }
0x43: {  	[sflag:s23] =	ssyncset.done $0x0  }
0x44: {  	s29 =	sadd.s32 s29, s6;
	s28 =	sadd.s32 $0x100, s28;
	[sflag:s23] =	ssyncadd.s32 $0xFFFFE000  }
0x45: {  	[hbm4b:s29+s19] =	stream.strided.scatter [tilespmem:s17], [sflag:$0x4], $0x2000, s13, s19, $0x38;
	[tilespmem:$0x5900] =	vst v63  }
0x46: {  	_ = 	snop  }
0x47: {  	[tilespmem:s17], [sflag:$0x2] =	stream.indirect.gather [hbm4b:s3+s13], $0x40, s24, s13, $0xb8;
	[tilespmem:$0x5900] =	vst v63  }
0x48: {  	_ =	swait.ge [sflag:s18], $0x2000  }
0x49: {  	[sflag:s18] =	ssyncset.done $0x0  }
0x4a: {  	[sflag:s18] =	ssyncadd.s32 $0xFFFFE000  }
0x4b: {  	_ =	swait.ge [sflag:s22], $0x2000  }
0x4c: {  	[sflag:s22] =	ssyncset.done $0x0  }
0x4d: {  	[sflag:s22] =	ssyncadd.s32 $0xFFFFE000  }
0x4e: {  	[hbm4b:s10+s19] =	stream.strided.scatter [tilespmem:s16], [sflag:$0x3], $0x2000, s13, s19, $0x38;
	[tilespmem:$0x5900] =	vst v63  }
0x4f: {  	_ =	swait.ge [sflag:s21], $0x2000  }
0x50: {  	[sflag:s21] =	ssyncset.done $0x0  }
0x51: {  	[sflag:s21] =	ssyncadd.s32 $0xFFFFE000  }
0x52: {  	_ =	swait.ge [sflag:s23], $0x2000  }
0x53: {  	[sflag:s23] =	ssyncset.done $0x0  }
0x54: {  	s25 =	sadd.s32 $0x1, s25;
	[sflag:s23] =	ssyncadd.s32 $0xFFFFE000  }
0x55: {  	[hbm4b:s11+s19] =	stream.strided.scatter [tilespmem:s17], [sflag:$0x4], $0x2000, s13, s19, $0x38;
	[tilespmem:$0x5900] =	vst v63  }
0x56: {  	p0 =	sne.s32 s25, s7;
	_ =	swait.ge [sflag:s22], $0x2000  }
.Ltmp1:
0x57: {  	[sflag:s22] =	ssyncset.done $0x0;
	(pc) =	sbr.rel @p0 .LBB2_1-.Ltmp1, $4  }
0x58: {  	[sflag:s22] =	ssyncadd.s32 $0xFFFFE000  }
0x59: {  	_ =	swait.ge [sflag:s23], $0x2000  }
0x5a: {  	[sflag:s23] =	ssyncset.done $0x0  }
0x5b: {  	[sflag:s23] =	ssyncadd.s32 $0xFFFFE000  }
0x5c: {  	_ =	sfence.sel $0x180000  }
0x5d: {  	[bflag:$0x0] =	sbarrier.arrive $0xFFFF  }
0x5e: {  	p0 =	sne.s32 s1, $0x0;
	_ =	strace $0x90000047  }
0x5f: {  	s0 =	sadd.s32 @!p0 $0x100000, s0;
	[bflag:$0x2] =	sbarrier.arrive $0xFFFF  }
0x60: {  	[sflag:s0] =	ssyncadd.tile.s32 @!p0 $0x1;
	_ =	shalt  }
.Lfunc_end2:
_tile_overlayer_lowered:
.L_overlay_start_2:
0x61: {  	(tag) =	ssettag $0x2  }
0x62: {  	s0 =	rddreg [dreg:$0x0];
	s2 =	stileid.u32  }
0x63: {  	s1 =	rddreg [dreg:$0x1];
	p0 =	sne.s32 s2, $0x0  }
0x64: {  	s3 =	rddreg [dreg:$0x2];
	[bflag:$0x3] =	sbarrier.arrive $0xFFFF;
	s2 =	simm.s32 @!p0 $0x1C05  }
0x65: {  	[timem:s3], [sflag:s2] =	dma.local @!p0 [hbm:s0], s1  }
0x66: {  	s0 =	simm.s32 @!p0 $0x5  }
0x67: {  	_ =	swait.ge @!p0 [sflag:s0], s1  }
0x68: {  	s1 =	ssub.s32 @!p0 $0x0, s1;
	[sflag:s0] =	ssyncset.done @!p0 $0x0  }
0x69: {  	[sflag:s0] =	ssyncadd.s32 @!p0 s1  }
0x6a: {  	[bflag:$0x3] =	sbarrier.arrive $0xFFFF  }
0x6b: {  	_ =	shalt  }

</sc_bundles>
